<compile_context>
chip_gen: v7x
topology: tpu7x:2x2x1
jax: 0.10.2.dev20260603
libtpu: 0.0.44.dev20260713+nightly
codegen_flags: <defaults>
</compile_context>

<pallas_src>
import functools

import jax
import jax.numpy as jnp
from jax import lax
from jax.experimental import pallas as pl
from jax.experimental.pallas import tpu as pltpu
from jax.experimental.pallas import tpu_sc as plsc


@functools.lru_cache(maxsize=None)
def _build_sc_kernel(Vpad, D, L, R, C, K):
    NCB = L // C
    NRB = L // R
    W = C + R

    info = plsc.get_sparse_core_info()
    num_workers = info.num_cores * info.num_subcores
    assert NRB * NCB == num_workers

    mesh = plsc.VectorSubcoreMesh(core_axis_name="c", subcore_axis_name="s")

    @functools.partial(
        pl.kernel,
        out_type=jax.ShapeDtypeStruct((L * L, D), jnp.float32),
        name="toeplitz_gather_sc",
        mesh=mesh,
        scratch_types=[
            pltpu.VMEM((W, D), jnp.float32),
            pltpu.SemaphoreType.DMA,
        ],
    )
    def sc_kernel(table, out, win, sem):
        wid = lax.axis_index("s") * info.num_cores + lax.axis_index("c")
        rb = wid // NCB
        cb = wid % NCB
        i0 = rb * R
        j0 = cb * C
        base = pl.multiple_of((L - 1) + j0 - i0 - (R - 1), 8)
        pltpu.sync_copy(table.at[pl.ds(base, W)], win)

        def fire(r, c):
            pltpu.async_copy(
                win.at[pl.ds(R - 1 - r, C)],
                out.at[pl.ds(pl.multiple_of((i0 + r) * L + j0, 8), C)],
                sem,
            )
            return c

        def wait_one(r, c):
            pltpu.make_async_copy(
                win.at[pl.ds(0, C)], out.at[pl.ds(0, C)], sem
            ).wait()
            return c

        def steady(r, c):
            return fire(r, wait_one(r, c))

        c = lax.fori_loop(0, K, fire, 0)
        c = lax.fori_loop(K, R, steady, c)
        lax.fori_loop(0, K, wait_one, c)

    return sc_kernel


def kernel(rel_emb, length):
    V, D = rel_emb.shape
    L = (V + 1) // 2
    table = jnp.concatenate([rel_emb, jnp.zeros((1, D), rel_emb.dtype)], axis=0)
    out2d = _build_sc_kernel(V + 1, D, L, 256, 512, 8)(table)
    return out2d.reshape(L, L, D)

# --- scband reference (transcript-rebuilt; emitter-appended) ---
"""Pipeline reference for scband-relative-positional-encoding-26456998543366 (READ-ONLY COPY).

The authoritative reference and input builder live on the scoring server;
editing this copy changes nothing except your own understanding.
"""

import jax, jax.numpy as jnp
import numpy as np

MAX_LEN = 2048
HEAD_DIM = 64  # d_model 1024 // n_heads 16


def setup_inputs(seed: int = 0) -> dict:
    key = jax.random.key(seed)
    rel_emb = jax.random.normal(key, (MAX_LEN * 2 - 1, HEAD_DIM), dtype=jnp.float32)
    return {"rel_emb": rel_emb, "length": 2048}


def reference(rel_emb, length):
    static_length = (rel_emb.shape[0] + 1) // 2
    range_vec = jnp.arange(static_length) + (length - length)
    range_mat = range_vec[None, :] - range_vec[:, None]
    range_mat = range_mat + (MAX_LEN - 1)
    return jnp.take(rel_emb, range_mat, axis=0)

if __name__ == "__main__":
    import jax
    _d = setup_inputs()
    print(jax.jit(kernel)(*tuple(_d.values())))

</pallas_src>

<mosaic_0001>
#map = affine_map<(d0, d1) -> (0, 0)>
module attributes {stable_mosaic.version = 14 : i64} {
  func.func @toeplitz_gather_sc(%arg0: i32, %arg1: i32, %arg2: memref<4096x64xf32, #tpu.memory_space<hbm>>, %arg3: memref<4194304x64xf32, #tpu.memory_space<hbm>>, %arg4: memref<768x64xf32, #tpu.memory_space<vmem>>, %arg5: memref<!tpu.dma_semaphore, #tpu.memory_space<semaphore_mem>>) attributes {dimension_semantics = [#tpu.dimension_semantics<core_parallel>, #tpu.dimension_semantics<subcore_parallel>], iteration_bounds = array<i64: 2, 16>, scalar_prefetch = 0 : i64, scratch_operands = 2 : i64, tpu.core_type = #tpu.core_type<sc_vector_subcore>, window_params = [{transform_indices = #map}, {transform_indices = #map}]} {
    %mul3A = arith.constant 2 : i32
    %mul3A_0 = arith.muli %arg1, %mul3A : i32
    %add3A = arith.addi %mul3A_0, %arg0 : i32
    %jit3A = arith.constant 4 : i32
    %div3A = arith.divsi %add3A, %jit3A : i32
    %sign3A = arith.constant 0 : i32
    %sign3A_1 = arith.cmpi sgt, %add3A, %sign3A : i32
    %sign3A_2 = arith.extui %sign3A_1 : i1 to i32
    %sign3A_3 = arith.constant 0 : i32
    %sign3A_4 = arith.cmpi slt, %add3A, %sign3A_3 : i32
    %sign3A_5 = arith.extui %sign3A_4 : i1 to i32
    %sign3A_6 = arith.subi %sign3A_2, %sign3A_5 : i32
    %sign3A_7 = arith.constant 0 : i32
    %sign3A_8 = arith.cmpi sgt, %jit3A, %sign3A_7 : i32
    %sign3A_9 = arith.extui %sign3A_8 : i1 to i32
    %sign3A_10 = arith.constant 0 : i32
    %sign3A_11 = arith.cmpi slt, %jit3A, %sign3A_10 : i32
    %sign3A_12 = arith.extui %sign3A_11 : i1 to i32
    %sign3A_13 = arith.subi %sign3A_9, %sign3A_12 : i32
    %ne3A = arith.cmpi ne, %sign3A_6, %sign3A_13 : i32
    %rem3A = arith.remsi %add3A, %jit3A : i32
    %ne3A_14 = arith.constant 0 : i32
    %ne3A_15 = arith.cmpi ne, %rem3A, %ne3A_14 : i32
    %and3A = arith.andi %ne3A, %ne3A_15 : i1
    %sub3A = arith.constant 1 : i32
    %sub3A_16 = arith.subi %div3A, %sub3A : i32
    %select_n3A = arith.select %and3A, %sub3A_16, %div3A : i32
    %jit3A_17 = arith.constant 4 : i32
    %eq3A = arith.constant 0 : i32
    %eq3A_18 = arith.cmpi eq, %jit3A_17, %eq3A : i32
    %jit3A_19 = arith.constant 1 : i32
    %select_n3A_20 = arith.select %eq3A_18, %jit3A_19, %jit3A_17 : i32
    %rem3A_21 = arith.remsi %add3A, %select_n3A_20 : i32
    %ne3A_22 = arith.constant 0 : i32
    %ne3A_23 = arith.cmpi ne, %rem3A_21, %ne3A_22 : i32
    %lt3A = arith.constant 0 : i32
    %lt3A_24 = arith.cmpi slt, %rem3A_21, %lt3A : i32
    %lt3A_25 = arith.constant 0 : i32
    %lt3A_26 = arith.cmpi slt, %select_n3A_20, %lt3A_25 : i32
    %ne3A_27 = arith.xori %lt3A_24, %lt3A_26 : i1
    %and3A_28 = arith.andi %ne3A_27, %ne3A_23 : i1
    %add3A_29 = arith.addi %rem3A_21, %select_n3A_20 : i32
    %select_n3A_30 = arith.select %and3A_28, %add3A_29, %rem3A_21 : i32
    %mul3A_31 = arith.constant 256 : i32
    %mul3A_32 = arith.muli %select_n3A, %mul3A_31 : i32
    %mul3A_33 = arith.constant 512 : i32
    %mul3A_34 = arith.muli %select_n3A_30, %mul3A_33 : i32
    %add3A_35 = arith.constant 2047 : i32
    %add3A_36 = arith.addi %add3A_35, %mul3A_34 : i32
    %sub3A_37 = arith.subi %add3A_36, %mul3A_32 : i32
    %sub3A_38 = arith.constant 255 : i32
    %sub3A_39 = arith.subi %sub3A_37, %sub3A_38 : i32
    %multiple_of3A = tpu.assume_multiple %sub3A_39, 8 : i32
    "tpu.region"() ({
      %run_scoped3A = tpu.sem_alloc : memref<!tpu.dma_semaphore, #tpu.memory_space<semaphore_mem>>
      %dma_start3A = arith.constant 0 : i32
      %dma_start3A_57 = tpu.memref_slice %arg2[%multiple_of3A, %dma_start3A] : memref<4096x64xf32, #tpu.memory_space<hbm>> -> memref<768x64xf32, #tpu.memory_space<hbm>>
      %dma_start3A_58 = arith.constant 0 : i32
      %dma_start3A_59 = tpu.memref_slice %arg2[%multiple_of3A, %dma_start3A_58] : memref<4096x64xf32, #tpu.memory_space<hbm>> -> memref<768x64xf32, #tpu.memory_space<hbm>>
      tpu.enqueue_dma source(%dma_start3A_59 : memref<768x64xf32, #tpu.memory_space<hbm>>) target(%arg4 : memref<768x64xf32, #tpu.memory_space<vmem>>) target_semaphore(%run_scoped3A : memref<!tpu.dma_semaphore, #tpu.memory_space<semaphore_mem>>)
      %dma_wait3A = arith.constant 0 : i32
      %dma_wait3A_60 = tpu.memref_slice %arg2[%multiple_of3A, %dma_wait3A] : memref<4096x64xf32, #tpu.memory_space<hbm>> -> memref<768x64xf32, #tpu.memory_space<hbm>>
      %dma_wait3A_61 = arith.constant 0 : i32
      %dma_wait3A_62 = tpu.memref_slice %arg2[%multiple_of3A, %dma_wait3A_61] : memref<4096x64xf32, #tpu.memory_space<hbm>> -> memref<768x64xf32, #tpu.memory_space<hbm>>
      tpu.wait_dma2 semaphore(%run_scoped3A : memref<!tpu.dma_semaphore, #tpu.memory_space<semaphore_mem>>) src(%dma_wait3A_62 : memref<768x64xf32, #tpu.memory_space<hbm>>) dst(%arg4 : memref<768x64xf32, #tpu.memory_space<vmem>>)
      tpu.yield
    }) : () -> ()
    %scan3A = arith.constant 0 : i32
    %scan3A_40 = arith.constant 0 : i32
    %scan3A_41 = arith.constant 8 : i32
    %scan3A_42 = arith.addi %scan3A_40, %scan3A_41 : i32
    %scan3A_43 = arith.constant 1 : i32
    scf.for %scan3A_57 = %scan3A_40 to %scan3A_42 step %scan3A_43  : i32 {
      %sub3A_58 = arith.constant 255 : i32
      %sub3A_59 = arith.subi %sub3A_58, %scan3A_57 : i32
      %add3A_60 = arith.addi %mul3A_32, %scan3A_57 : i32
      %mul3A_61 = arith.constant 2048 : i32
      %mul3A_62 = arith.muli %add3A_60, %mul3A_61 : i32
      %add3A_63 = arith.addi %mul3A_62, %mul3A_34 : i32
      %multiple_of3A_64 = tpu.assume_multiple %add3A_63, 8 : i32
      %dma_start3A = arith.constant 0 : i32
      %dma_start3A_65 = tpu.memref_slice %arg4[%sub3A_59, %dma_start3A] : memref<768x64xf32, #tpu.memory_space<vmem>> -> memref<512x64xf32, #tpu.memory_space<vmem>>
      %dma_start3A_66 = arith.constant 0 : i32
      %dma_start3A_67 = tpu.memref_slice %arg3[%multiple_of3A_64, %dma_start3A_66] : memref<4194304x64xf32, #tpu.memory_space<hbm>> -> memref<512x64xf32, #tpu.memory_space<hbm>>
      %dma_start3A_68 = arith.constant 0 : i32
      %dma_start3A_69 = tpu.memref_slice %arg3[%multiple_of3A_64, %dma_start3A_68] : memref<4194304x64xf32, #tpu.memory_space<hbm>> -> memref<512x64xf32, #tpu.memory_space<hbm>>
      %dma_start3A_70 = arith.constant 0 : i32
      %dma_start3A_71 = tpu.memref_slice %arg4[%sub3A_59, %dma_start3A_70] : memref<768x64xf32, #tpu.memory_space<vmem>> -> memref<512x64xf32, #tpu.memory_space<vmem>>
      tpu.enqueue_dma source(%dma_start3A_71 : memref<512x64xf32, #tpu.memory_space<vmem>>) target(%dma_start3A_69 : memref<512x64xf32, #tpu.memory_space<hbm>>) target_semaphore(%arg5 : memref<!tpu.dma_semaphore, #tpu.memory_space<semaphore_mem>>)
    }
    %scan3A_44 = arith.constant 8 : i32
    %scan3A_45 = arith.constant 0 : i32
    %scan3A_46 = arith.constant 8 : i32
    %scan3A_47 = arith.constant 248 : i32
    %scan3A_48 = arith.addi %scan3A_46, %scan3A_47 : i32
    %scan3A_49 = arith.constant 1 : i32
    scf.for %scan3A_57 = %scan3A_46 to %scan3A_48 step %scan3A_49  : i32 {
      %dma_wait3A = arith.constant 0 : i32
      %dma_wait3A_58 = arith.constant 0 : i32
      %dma_wait3A_59 = tpu.memref_slice %arg4[%dma_wait3A, %dma_wait3A_58] : memref<768x64xf32, #tpu.memory_space<vmem>> -> memref<512x64xf32, #tpu.memory_space<vmem>>
      %dma_wait3A_60 = arith.constant 0 : i32
      %dma_wait3A_61 = arith.constant 0 : i32
      %dma_wait3A_62 = tpu.memref_slice %arg3[%dma_wait3A_60, %dma_wait3A_61] : memref<4194304x64xf32, #tpu.memory_space<hbm>> -> memref<512x64xf32, #tpu.memory_space<hbm>>
      %dma_wait3A_63 = arith.constant 0 : i32
      %dma_wait3A_64 = arith.constant 0 : i32
      %dma_wait3A_65 = tpu.memref_slice %arg3[%dma_wait3A_63, %dma_wait3A_64] : memref<4194304x64xf32, #tpu.memory_space<hbm>> -> memref<512x64xf32, #tpu.memory_space<hbm>>
      %dma_wait3A_66 = arith.constant 0 : i32
      %dma_wait3A_67 = arith.constant 0 : i32
      %dma_wait3A_68 = tpu.memref_slice %arg4[%dma_wait3A_66, %dma_wait3A_67] : memref<768x64xf32, #tpu.memory_space<vmem>> -> memref<512x64xf32, #tpu.memory_space<vmem>>
      tpu.wait_dma2 semaphore(%arg5 : memref<!tpu.dma_semaphore, #tpu.memory_space<semaphore_mem>>) src(%dma_wait3A_68 : memref<512x64xf32, #tpu.memory_space<vmem>>) dst(%dma_wait3A_65 : memref<512x64xf32, #tpu.memory_space<hbm>>)
      %sub3A_69 = arith.constant 255 : i32
      %sub3A_70 = arith.subi %sub3A_69, %scan3A_57 : i32
      %add3A_71 = arith.addi %mul3A_32, %scan3A_57 : i32
      %mul3A_72 = arith.constant 2048 : i32
      %mul3A_73 = arith.muli %add3A_71, %mul3A_72 : i32
      %add3A_74 = arith.addi %mul3A_73, %mul3A_34 : i32
      %multiple_of3A_75 = tpu.assume_multiple %add3A_74, 8 : i32
      %dma_start3A = arith.constant 0 : i32
      %dma_start3A_76 = tpu.memref_slice %arg4[%sub3A_70, %dma_start3A] : memref<768x64xf32, #tpu.memory_space<vmem>> -> memref<512x64xf32, #tpu.memory_space<vmem>>
      %dma_start3A_77 = arith.constant 0 : i32
      %dma_start3A_78 = tpu.memref_slice %arg3[%multiple_of3A_75, %dma_start3A_77] : memref<4194304x64xf32, #tpu.memory_space<hbm>> -> memref<512x64xf32, #tpu.memory_space<hbm>>
      %dma_start3A_79 = arith.constant 0 : i32
      %dma_start3A_80 = tpu.memref_slice %arg3[%multiple_of3A_75, %dma_start3A_79] : memref<4194304x64xf32, #tpu.memory_space<hbm>> -> memref<512x64xf32, #tpu.memory_space<hbm>>
      %dma_start3A_81 = arith.constant 0 : i32
      %dma_start3A_82 = tpu.memref_slice %arg4[%sub3A_70, %dma_start3A_81] : memref<768x64xf32, #tpu.memory_space<vmem>> -> memref<512x64xf32, #tpu.memory_space<vmem>>
      tpu.enqueue_dma source(%dma_start3A_82 : memref<512x64xf32, #tpu.memory_space<vmem>>) target(%dma_start3A_80 : memref<512x64xf32, #tpu.memory_space<hbm>>) target_semaphore(%arg5 : memref<!tpu.dma_semaphore, #tpu.memory_space<semaphore_mem>>)
    }
    %scan3A_50 = arith.constant 248 : i32
    %scan3A_51 = arith.constant 0 : i32
    %scan3A_52 = arith.constant 0 : i32
    %scan3A_53 = arith.constant 8 : i32
    %scan3A_54 = arith.addi %scan3A_52, %scan3A_53 : i32
    %scan3A_55 = arith.constant 1 : i32
    scf.for %scan3A_57 = %scan3A_52 to %scan3A_54 step %scan3A_55  : i32 {
      %dma_wait3A = arith.constant 0 : i32
      %dma_wait3A_58 = arith.constant 0 : i32
      %dma_wait3A_59 = tpu.memref_slice %arg4[%dma_wait3A, %dma_wait3A_58] : memref<768x64xf32, #tpu.memory_space<vmem>> -> memref<512x64xf32, #tpu.memory_space<vmem>>
      %dma_wait3A_60 = arith.constant 0 : i32
      %dma_wait3A_61 = arith.constant 0 : i32
      %dma_wait3A_62 = tpu.memref_slice %arg3[%dma_wait3A_60, %dma_wait3A_61] : memref<4194304x64xf32, #tpu.memory_space<hbm>> -> memref<512x64xf32, #tpu.memory_space<hbm>>
      %dma_wait3A_63 = arith.constant 0 : i32
      %dma_wait3A_64 = arith.constant 0 : i32
      %dma_wait3A_65 = tpu.memref_slice %arg3[%dma_wait3A_63, %dma_wait3A_64] : memref<4194304x64xf32, #tpu.memory_space<hbm>> -> memref<512x64xf32, #tpu.memory_space<hbm>>
      %dma_wait3A_66 = arith.constant 0 : i32
      %dma_wait3A_67 = arith.constant 0 : i32
      %dma_wait3A_68 = tpu.memref_slice %arg4[%dma_wait3A_66, %dma_wait3A_67] : memref<768x64xf32, #tpu.memory_space<vmem>> -> memref<512x64xf32, #tpu.memory_space<vmem>>
      tpu.wait_dma2 semaphore(%arg5 : memref<!tpu.dma_semaphore, #tpu.memory_space<semaphore_mem>>) src(%dma_wait3A_68 : memref<512x64xf32, #tpu.memory_space<vmem>>) dst(%dma_wait3A_65 : memref<512x64xf32, #tpu.memory_space<hbm>>)
    }
    %scan3A_56 = arith.constant 8 : i32
    return
  }
}

</mosaic_0001>

<sc_bundles>
// kernel: sparse-core-data-format-call.cloned.1.call-start
scs
called_computation_lowered:
.L_overlay_start_0:
0x0: {  	s2 =	sld [smem:$0x3FD9]  }
0x1: {  	s3 =	sld [smem:$0x3FFE];
	_ =	sdelay $0x1  }
0x2: {  	s1 =	srdreg.scid  }
0x3: {  	s0 =	sand.u32 $0x1, s1  }
0x4: {  	s18 =	sshll.u32 s0, $0xA;
	s2 =	sadd.s32 s3, s2  }
0x5: {  	s2 =	sadd.s32 s2, s18  }
0x6: {  	[smem:$0x3FC7] =	sst s2  }
0x7: {  	_ = 	snop  }
0x8: {  	s2 =	sld [smem:$0x3FD0];
	(tm) =	ssettm $0x1  }
0x9: {  	s19 =	sld [smem:$0x3FFB];
	_ =	sdelay $0x3  }
0xa: {  	_ =	strace s19  }
0xb: {  	s3 =	sld [smem:$0x3FFC];
	_ =	sdelay $0x3  }
0xc: {  	_ =	strace s3  }
0xd: {  	s3 =	sld [smem:$0x3FFD];
	_ =	sdelay $0x3  }
0xe: {  	_ =	strace s3  }
0xf: {  	_ =	strace $0x8FFFFFFF  }
0x10: {  	s20 =	sld [smem:$0x3FDB];
	_ =	sdelay $0x1  }
0x11: {  	s4 =	simm.s32 $_scs_section_size  }
0x12: {  	s5 =	simm.s32 $_size__tile_overlayer_lowered;
	s6 =	simm.s32 $_tile_overlayer_lowered  }
0x13: {  	s23 =	simm.s32 $0x1BFF;
	s22 =	sshll.u32 s6, $0x1;
	s3 =	sadd.s32 s4, s20  }
0x14: {  	s7 =	simm.s32 $0x0;
	s21 =	sshll.u32 s5, $0x1;
	s5 =	sadd.s32 s22, s3  }
0x15: {  	[timem:s7], [sflag:s23] =	dma.local [hbm:s5], s21  }
0x16: {  	_ =	swait.ge [sflag:s23], s21  }
0x17: {  	s4 =	ssub.s32 $0x0, s21;
	[sflag:s23] =	ssyncset.done $0x0  }
0x18: {  	[sflag:s23] =	ssyncadd.s32 s4;
	_ =	sdelay $0x1  }
0x19: {  	s24 =	simm.s32 $0x1B8B  }
0x1a: {  	_ =	swait.ge [sflag:s24], $0x1  }
0x1b: {  	[sflag:s24] =	ssyncset.done $0x0  }
0x1c: {  	s26 =	simm.s32 $0x1B8E;
	s25 =	sld [smem:$0x3FFE];
	[sflag:s24] =	ssyncadd.s32 $0xFFFFFFFF  }
0x1d: {  	s27 =	simm.s32 $execute0_lowered;
	[smem:$0x3FD2] =	sst s26  }
0x1e: {  	s5 =	sshll.u32 s27, $0x1;
	_ =	strace $0x80000049;
	[dreg:$0x1] =	wrdreg $0xFFFFFFFF  }
0x1f: {  	s28 =	simm.s32 $_size_execute0_lowered;
	s3 =	sadd.s32 s3, s5;
	[dreg:$0x0] =	wrdreg $0x0  }
0x20: {  	s5 =	sshll.u32 s28, $0x1;
	[dreg:$0x2] =	wrdreg s3  }
0x21: {  	[dreg:$0x3] =	wrdreg s5  }
0x22: {  	[dreg:$0x4] =	wrdreg $0xC0  }
0x23: {  	_ =	task [dreg:s7], $0x5FFFF  }
0x24: {  	[dreg:$0x1] =	wrdreg $0xFFFFFFFF  }
0x25: {  	[dreg:$0x0] =	wrdreg $0x60  }
0x26: {  	[dreg:$0x2] =	wrdreg s25  }
0x27: {  	[dreg:$0x3] =	wrdreg s2  }
0x28: {  	[dreg:$0x4] =	wrdreg $0x9  }
0x29: {  	_ =	task.clear_ibuf [dreg:s7], $0x5FFFF;
	_ =	strace $0x90000049  }
0x2a: {  	s29 =	simm.s32 $0x9;
	_ =	strace $0x8000004B  }
0x2b: {  	_ =	swait.ge [sflag:s29], $0x1  }
0x2c: {  	[sflag:s29] =	ssyncadd.s32 $0xFFFFFFFF  }
0x2d: {  	_ =	strace $0x9000004B  }
0x2e: {  	_ =	sfence  }
0x2f: {  	s30 =	sld [smem:$0x0];
	_ =	sdelay $0x2  }
0x30: {  	s31 =	sshll.u32 s1, $0xD;
	s1 =	sshrl.u32 s1, $0x2  }
0x31: {  	s3 =	sand.u32 $0x4000, s31;
	s1 =	sadd.s32 s1, s30  }
0x32: {  	s0 =	sor.u32 s3, s0;
	s1 =	sshll.u32 s1, $0x11  }
0x33: {  	s0 =	sor.u32 s1, s0  }
0x34: {  	s0 =	sadd.s32 $0x8F2B, s0  }
0x35: {  	[sflag:s0] =	ssyncadd.remote.s32 $0x1  }
0x36: {  	_ =	sfence.sel $0xFFFF  }
0x37: {  	[dreg:$0x0] =	wrdreg $0xFFFFFFFF;
	(pc) =	sbr.abs _section_cstart, $3  }
0x38: {  	[dreg:$0x1] =	wrdreg $0xFFFFFFFF  }
0x39: {  	_ =	task.clear_ibuf [dreg:s7], $0x2FFFF;
	_ =	strace $0x9FFFFFFF  }
0x3a: {  	(tm) =	ssettm $0x7FFFFFFF  }
0x3b: {  	_ =	shalt  }
tec
execute0_lowered:
.L_overlay_start_1:
0x0: {  	(tag) =	ssettag $0x1  }
0x1: {  	s0 =	srdreg.scid  }
0x2: {  	s7 =	rddreg [dreg:$0x0];
	s1 =	sshll.u32 s0, $0x4  }
0x3: {  	s3 =	rddreg [dreg:$0x1];
	s0 =	stileid.u32;
	s1 =	sand.u32 $0x10, s1  }
0x4: {  	s6 =	simm.s32 $0x1;
	s31 =	simm.s32 $0x2;
	s1 =	sor.u32 s0, s1  }
0x5: {  	s13 =	simm.s32 $0x0;
	s9 =	simm.s32 $0x4000;
	s2 =	sshll.u32 s1, $0x1  }
0x6: {  	s14 =	simm.s32 $0x0;
	s10 =	simm.s32 $0x0;
	s4 =	ssub.s32 $0x800, s2  }
0x7: {  	s12 =	simm.s32 $0x0;
	s1 =	rddreg [dreg:$0x2];
	s5 =	sand.u32 $0x3E, s4  }
.Ltmp0:
0x8: {  	_ =	strace $0x8000004A;
	p0 =	sne.s32 s5, $0x0;
	(pc) =	sbr.rel .LBB1_1-.Ltmp0, $4  }
0x9: {  	s11 =	smov.u32 s2;
	s8 =	sshrl.u32 s4, $0x6;
	s6 =	simm.s32 @!p0 $0x0  }
0xa: {  	s4 =	sadd.s32 $0x800, s7;
	s5 =	simm.s32 $0x1;
	s6 =	sadd.s32 s6, s8  }
0xb: {  	s7 =	sadd.s32 $0x8800, s7;
	[sflag:s5] =	ssyncpa.u1 $0x0;
	s6 =	sshll.u32 s6, $0x4  }
0xc: {  	p0 =	por $0x0, $0x0;
	[sflag:s31] =	ssyncpa.u1 $0x0;
	s8 =	sor.u32 $0x1, s6  }
.LBB1_7:
0xd: {  	s15 =	sadd.s32 $0x80, s10  }
0xe: {  	s13 =	sadd.s32 $0x40, s11;
	s17 =	smov.u32 s11;
	p2 =	sgt.s32 s15, $0x7FF  }
0xf: {  	s17 =	smov.u32 @p2 s13  }
0x10: {  	s15 =	simm.s32 @p2 $0x0;
	p2 =	sgt.s32 s17, $0x7FF  }
0x11: {  	s17 =	smov.u32 @p2 s2;
	p2 =	sne.s32 s12, s8  }
.Ltmp1:
0x12: {  	p1 =	slt.u32 s12, $0x2;
	(pc) =	sbr.rel @!p2 .LBB1_8-.Ltmp1, $4  }
0x13: {  	s16 =	simm.s32 @!p1 $0x2  }
0x14: {  	s14 =	smov.u32 s11;
	p0 =	por !p0, !p0;
	_ =	swait.ge @!p1 [sflag:s16], $0x4000  }
0x15: {  	s13 =	smov.u32 s10;
	[sflag:s16] =	ssyncset.done @!p1 $0x0;
	s10 =	smov.u32 s15  }
0x16: {  	s12 =	sadd.s32 $0x1, s12;
	[sflag:s16] =	ssyncadd.s32 @!p1 $0xFFFFC000;
	s11 =	smov.u32 s17  }
.LBB1_1:
0x17: {  	p1 =	sge.u32 s12, s6  }
0x18: {  	s15 =	sxor.u32 @!p1 $0xFFFFFFFF, s12;
	s16 =	sshll.u32 @!p1 s11, $0xF  }
0x19: {  	s17 =	sshll.u32 @!p1 s10, $0x4;
	s19 =	simm.s32 @!p1 $0x40;
	s20 =	simm.s32 @!p1 $0x80  }
0x1a: {  	s15 =	sshll.u32 @!p1 s15, $0xE;
	s17 =	sand.u32 @!p1 $0x7FF0, s17;
	s18 =	sadd.s32 @!p1 s4, s16  }
0x1b: {  	s16 =	sadd.s32 @!p1 s16, s7;
	s15 =	sand.u32 @!p1 $0x4000, s15;
	s18 =	sadd.s32 @!p1 s17, s18  }
0x1c: {  	[tilespmem:s15], [sflag:$0x1] =	stream.strided.gather @!p1 [hbm4b:s18+s19], $0x2000, s20, s19, $0x38;
	[tilespmem:$0x10100] =	vst v63  }
0x1d: {  	s31 =	sadd.s32 $0xFFFFFFFF, s12;
	s16 =	sadd.s32 @!p1 s17, s16;
	s15 =	sor.u32 @!p1 $0x2000, s15  }
0x1e: {  	[tilespmem:s15], [sflag:$0x1] =	stream.strided.gather @!p1 [hbm4b:s16+s19], $0x2000, s20, s19, $0x38;
	[tilespmem:$0x10100] =	vst v63  }
0x1f: {  	p1 =	sge.u32 s31, s6  }
.Ltmp2:
0x20: {  	_ = 	snop;
	(pc) =	sbr.rel @p1 .LBB1_7-.Ltmp2, $1  }
0x21: {  	_ =	sdelay $0x3  }
0x22: {  	s15 =	simm.s32 $0x1;
	s17 =	sand.u32 $0x1, s12  }
0x23: {  	_ =	swait.ge [sflag:s5], $0x4000;
	s15 =	simm.s32 @!p0 $0x0;
	s17 =	smul.u32 $0x10200, s17  }
0x24: {  	p2 =	por $0x1, $0x1;
	[sflag:s5] =	ssyncset.done $0x0;
	s16 =	smul.u32 $0x10200, s15  }
0x25: {  	s18 =	sshll.u32 s15, $0x10;
	[sflag:s5] =	ssyncadd.s32 $0xFFFFC000;
	s30 =	sshrl.u32 s17, $0x2  }
0x26: {  	s31 =	sshrl.u32 s18, $0x2;
	s18 =	simm.s32 $0x0;
	s16 =	sshrl.u32 s16, $0x2  }
0x27: {  	s15 =	sor.u32 $0x8000, s30;
	s17 =	sadd.s32 $0x20, s31;
	s16 =	sor.u32 $0x8000, s16  }
.LBB1_3:
0x28: {  	s19 =	sshll.u32 s18, $0xD  }
0x29: {  	s19 =	sand.u32 $0x3FFFE000, s19  }
0x2a: {  	s21 =	sadd.s32 s19, s17  }
0x2b: {  	s31 =	smul.u32 $0x8100, s18;
	v3 =	vld [tilespmem:s21+$0x10]  }
0x2c: {  	v1 =	vld [tilespmem:s21+$0xFFFFFFF0]  }
0x2d: {  	s18 =	sshra.s32 s31, $0x2;
	v0 =	vld [tilespmem:s21+$0x0]  }
0x2e: {  	s18 =	sadd.s32 s18, s16;
	v2 =	vld [tilespmem:s21+$0xFFFFFFE0]  }
0x2f: {  	s19 =	sadd.s32 $0x0, s18  }
0x30: {  	p1 =	por p2, p2;
	s20 =	simm.s32 $0x4;
	s21 =	sadd.s32 $0x40, s21;
	[tilespmem:s19+$0x1830 ss:$0x81] =	vst.msk $0xffff, v3  }
.LBB1_4:
0x31: {  	v3 =	vld [tilespmem:s21+$0x10];
	p2 =	sne.s32 s20, $0x1FC;
	[tilespmem:s19+$0x810 ss:$0x81] =	vst.msk $0xffff, v1;
	s22 =	smov.u32 s20;
	s20 =	sadd.s32 $0x4, s20  }
.Ltmp3:
0x32: {  	v1 =	vld [tilespmem:s21+$0xFFFFFFF0];
	[tilespmem:s19+$0x1020 ss:$0x81] =	vst.msk $0xffff, v0;
	(pc) =	sbr.rel @p2 .LBB1_4-.Ltmp3, $4  }
0x33: {  	v0 =	vld [tilespmem:s21+$0x0];
	[tilespmem:s19+$0x0 ss:$0x81] =	vst.msk $0xffff, v2  }
0x34: {  	s19 =	sshra.s32 s22, $0x2;
	v2 =	vld [tilespmem:s21+$0xFFFFFFE0]  }
0x35: {  	s19 =	sadd.s32 s19, s18  }
0x36: {  	s21 =	sadd.s32 $0x40, s21;
	[tilespmem:s19+$0x1830 ss:$0x81] =	vst.msk $0xffff, v3  }
.Ltmp4:
0x37: {  	(pc) =	sbr.rel @p1 .LBB1_3-.Ltmp4, $4  }
0x38: {  	_ = 	snop  }
0x39: {  	[tilespmem:s19+$0x810 ss:$0x81] =	vst.msk $0xffff, v1  }
0x3a: {  	[tilespmem:s19+$0x1020 ss:$0x81] =	vst.msk $0xffff, v0  }
0x3b: {  	s18 =	simm.s32 $0x1;
	p2 =	por $0x0, $0x0;
	[tilespmem:s19+$0x0 ss:$0x81] =	vst.msk $0xffff, v2  }
0x3c: {  	s16 =	sshll.u32 s13, $0x3;
	s17 =	sand.u32 $0x78, s13;
	s14 =	sshll.u32 s14, $0xE  }
.Ltmp5:
0x3d: {  	s30 =	sand.u32 $0x3F00, s13;
	s16 =	sand.u32 $0x400, s16;
	(pc) =	sbr.rel .LBB1_7-.Ltmp5, $4  }
0x3e: {  	s31 =	sand.u32 $0x7, s13;
	s14 =	sadd.s32 s3, s14;
	s16 =	sor.u32 s17, s16  }
0x3f: {  	s13 =	sshll.u32 s31, $0x12;
	s14 =	sadd.s32 s30, s14;
	s16 =	sshrl.u32 s16, $0x3  }
0x40: {  	s13 =	sor.u32 $0x400, s13;
	s14 =	sadd.s32 s16, s14  }
0x41: {  	[hbm4b:s14+s13] =	stream.strided.scatter [tilespmem:s15], [sflag:$0x2], $0x4000, s9, s13, $0x20;
	[tilespmem:$0x10100] =	vst v63  }
.LBB1_8:
0x42: {  	_ =	sfence.sel $0x180000  }
0x43: {  	s2 =	simm.s32 $0x1;
	[bflag:$0x0] =	sbarrier.arrive $0xFFFF  }
0x44: {  	s31 =	simm.s32 $0x2;
	[sflag:s2] =	ssyncpa.u1 $0x1  }
0x45: {  	[sflag:s31] =	ssyncpa.u1 $0x1  }
0x46: {  	p0 =	sne.s32 s0, $0x0;
	_ =	strace $0x9000004A  }
0x47: {  	s0 =	sadd.s32 @!p0 $0x100000, s1;
	[bflag:$0x2] =	sbarrier.arrive $0xFFFF  }
0x48: {  	[sflag:s0] =	ssyncadd.tile.s32 @!p0 $0x1;
	_ =	shalt  }
.Lfunc_end1:
_tile_overlayer_lowered:
.L_overlay_start_2:
0x49: {  	(tag) =	ssettag $0x2  }
0x4a: {  	s0 =	rddreg [dreg:$0x0];
	s2 =	stileid.u32  }
0x4b: {  	s1 =	rddreg [dreg:$0x1];
	p0 =	sne.s32 s2, $0x0  }
0x4c: {  	s3 =	rddreg [dreg:$0x2];
	[bflag:$0x3] =	sbarrier.arrive $0xFFFF;
	s2 =	simm.s32 @!p0 $0x1C01  }
0x4d: {  	[timem:s3], [sflag:s2] =	dma.local @!p0 [hbm:s0], s1  }
0x4e: {  	s0 =	simm.s32 @!p0 $0x1  }
0x4f: {  	_ =	swait.ge @!p0 [sflag:s0], s1  }
0x50: {  	s1 =	ssub.s32 @!p0 $0x0, s1;
	[sflag:s0] =	ssyncset.done @!p0 $0x0  }
0x51: {  	[sflag:s0] =	ssyncadd.s32 @!p0 s1  }
0x52: {  	[bflag:$0x3] =	sbarrier.arrive $0xFFFF  }
0x53: {  	_ =	shalt  }

// kernel: toeplitz_gather_sc.3.cloned.1.call-start
scs
__scs_entry_jumppad:
0x0: {  	(pc) =	sbr.rel $0x88, $3  }
0x1: {  	(tag) =	ssettag $0x0;
	lr =	simm.s32 $0x1  }
0x2: {  	[smem:$0x3FA0] =	sst lr;
	_ =	strace $0xD0000000  }
0x3: {  	_ = 	snop  }
0x4: {  	_ = 	snop  }
0x5: {  	_ = 	snop  }
0x6: {  	_ = 	snop  }
0x7: {  	_ = 	snop  }
__scs_overlays_trampoline_lowered:
0x8: {  	[smem:$0x3FAF] =	sst s0  }
0x9: {  	[smem:$0x3FB0] =	sst s1  }
0xa: {  	[smem:$0x3FB1] =	sst s2  }
0xb: {  	[smem:$0x3FB2] =	sst s3  }
0xc: {  	[smem:$0x3FB3] =	sst s4  }
0xd: {  	[smem:$0x3FB4] =	sst s5  }
0xe: {  	[smem:$0x3FB5] =	sst s6  }
0xf: {  	[smem:$0x3FB6] =	sst s7  }
0x10: {  	[smem:$0x3FB7] =	sst s8  }
0x11: {  	[smem:$0x3FB8] =	sst s9;
	s0 =	simm.s32 @!p0 $0x0  }
0x12: {  	s1 =	sld [smem:$0x3F9E];
	s0 =	simm.s32 @p0 $0x1  }
0x13: {  	[smem:$0x3FB9] =	sst s0;
	s0 =	simm.s32 @!p1 $0x0  }
0x14: {  	s2 =	sld [smem:$0x3F9D];
	s0 =	simm.s32 @p1 $0x1  }
0x15: {  	[smem:$0x3FBA] =	sst s0;
	s0 =	simm.s32 @!p2 $0x0  }
0x16: {  	s3 =	sld [smem:$0x3FDB];
	s0 =	simm.s32 @p2 $0x1  }
0x17: {  	s4 =	simm.s32 $0x1BF5;
	[smem:$0x3FBC] =	sst s0  }
0x18: {  	s0 =	sld [smem:$0x3F9F];
	_ =	swait.ge [sflag:s4], $0x0  }
0x19: {  	s7 =	sld [smem:$0x3FA0]  }
0x1a: {  	s8 =	sadd.s32 $0xFFFFE003, lr  }
0x1b: {  	s9 =	sadd.s32 $0xFFFFFEF7, lr;
	s5 =	simm.s32 $0xFFFFFFFF;
	p2 =	slt.u32 s8, $0xFFFFF086  }
0x1c: {  	p1 =	slt.u32 s9, $0xF7A;
	s5 =	simm.s32 @!p2 $0x0  }
0x1d: {  	s5 =	simm.s32 @p1 $0x1;
	p0 =	seq.s32 s7, s2  }
0x1e: {  	s7 =	smul.u32 @!p0 $0xF7A, s2;
	p2 =	seq.s32 @!p0 s5, $0x0  }
0x1f: {  	s9 =	smul.u32 $0xF7A, s1;
	s8 =	simm.s32 @!p0 $0x1BF5;
	p2 =	por !p2, p0  }
0x20: {  	[sflag:s8] =	ssyncset.s32 @!p0 $0xFFFFF086;
	s6 =	sadd.s32 @!p0 s3, s7;
	s7 =	simm.s32 @!p0 $0x108  }
0x21: {  	s3 =	sadd.s32 s3, s9;
	s6 =	sadd.s32 @!p0 $0x88, s6;
	s7 =	simm.s32 @p2 $0x1082  }
0x22: {  	[simem:s7], [sflag:s8] =	dma.local @!p0 [hbm:s6], $0xF7A  }
0x23: {  	s9 =	sor.u32 $0xD0000000, s2;
	s6 =	simm.s32 $0x108;
	_ =	swait.ge @!p0 [sflag:s8], $0x0  }
0x24: {  	s3 =	sadd.s32 $0x88, s3;
	s6 =	simm.s32 @!p1 $0x1082;
	[sflag:s4] =	ssyncset.s32 $0xFFFFF086  }
0x25: {  	[simem:s6], [sflag:s4] =	dma.local [hbm:s3], $0xF7A  }
0x26: {  	[smem:$0x3FA0] =	sst s1;
	(tag) =	ssettag s2;
	_ =	strace s9  }
0x27: {  	s1 =	sld [smem:$0x3FB0]  }
0x28: {  	s2 =	sld [smem:$0x3FB1]  }
0x29: {  	s4 =	sld [smem:$0x3FB3]  }
0x2a: {  	p0 =	seq.s32 s5, $0x0;
	s5 =	sld [smem:$0x3FB4]  }
0x2b: {  	s6 =	sld [smem:$0x3FB5]  }
0x2c: {  	s7 =	sld [smem:$0x3FB6]  }
0x2d: {  	s3 =	simm.s32 $0x108;
	s8 =	sld [smem:$0x3FB7]  }
0x2e: {  	s3 =	simm.s32 @!p0 $0x1082;
	s9 =	sld [smem:$0x3FB8]  }
0x2f: {  	lr =	sadd.s32 s0, s3;
	s0 =	sld [smem:$0x3FAF]  }
0x30: {  	s3 =	sld [smem:$0x3FB2]  }
0x31: {  	[smem:$0x3FBB] =	sst s10  }
0x32: {  	s10 =	sld [smem:$0x3FB9];
	_ =	sdelay $0x3  }
0x33: {  	p0 =	seq.s32 s10, $0x1;
	s10 =	sld [smem:$0x3FBB];
	_ =	sdelay $0x3  }
0x34: {  	[smem:$0x3FBB] =	sst s10  }
0x35: {  	s10 =	sld [smem:$0x3FBA];
	_ =	sdelay $0x3  }
0x36: {  	p1 =	seq.s32 s10, $0x1;
	s10 =	sld [smem:$0x3FBB];
	_ =	sdelay $0x3  }
0x37: {  	[smem:$0x3FBB] =	sst s10  }
0x38: {  	s10 =	sld [smem:$0x3FBC]  }
0x39: {  	_ = 	snop;
	(pc) =	sbr.ind lr, $3  }
0x3a: {  	_ = 	snop  }
0x3b: {  	_ = 	snop  }
0x3c: {  	p2 =	seq.s32 s10, $0x1;
	s10 =	sld [smem:$0x3FBB]  }
0x3d: {  	_ =	shalt  }
0x3e: {  	_ =	shalt  }
0x3f: {  	_ =	shalt  }
0x40: {  	_ =	shalt  }
0x41: {  	_ =	shalt  }
0x42: {  	_ =	shalt  }
0x43: {  	_ =	shalt  }
0x44: {  	_ =	shalt  }
0x45: {  	_ =	shalt  }
0x46: {  	_ =	shalt  }
0x47: {  	_ =	shalt  }
0x48: {  	_ =	shalt  }
0x49: {  	_ =	shalt  }
0x4a: {  	_ =	shalt  }
0x4b: {  	_ =	shalt  }
0x4c: {  	_ =	shalt  }
0x4d: {  	_ =	shalt  }
0x4e: {  	_ =	shalt  }
0x4f: {  	_ =	shalt  }
0x50: {  	_ =	shalt  }
0x51: {  	_ =	shalt  }
0x52: {  	_ =	shalt  }
0x53: {  	_ =	shalt  }
0x54: {  	_ =	shalt  }
0x55: {  	_ =	shalt  }
0x56: {  	_ =	shalt  }
0x57: {  	_ =	shalt  }
0x58: {  	_ =	shalt  }
0x59: {  	_ =	shalt  }
0x5a: {  	_ =	shalt  }
0x5b: {  	_ =	shalt  }
0x5c: {  	_ =	shalt  }
0x5d: {  	_ =	shalt  }
0x5e: {  	_ =	shalt  }
0x5f: {  	_ =	shalt  }
0x60: {  	_ =	shalt  }
0x61: {  	_ =	shalt  }
0x62: {  	_ =	shalt  }
0x63: {  	_ =	shalt  }
0x64: {  	_ =	shalt  }
0x65: {  	_ =	shalt  }
0x66: {  	_ =	shalt  }
0x67: {  	_ =	shalt  }
0x68: {  	_ =	shalt  }
0x69: {  	_ =	shalt  }
0x6a: {  	_ =	shalt  }
0x6b: {  	_ =	shalt  }
0x6c: {  	_ =	shalt  }
0x6d: {  	_ =	shalt  }
0x6e: {  	_ =	shalt  }
0x6f: {  	_ =	shalt  }
0x70: {  	_ =	shalt  }
0x71: {  	_ =	shalt  }
0x72: {  	_ =	shalt  }
0x73: {  	_ =	shalt  }
0x74: {  	_ =	shalt  }
0x75: {  	_ =	shalt  }
0x76: {  	_ =	shalt  }
0x77: {  	_ =	shalt  }
0x78: {  	_ =	shalt  }
0x79: {  	_ =	shalt  }
0x7a: {  	_ =	shalt  }
0x7b: {  	_ =	shalt  }
0x7c: {  	_ =	shalt  }
0x7d: {  	_ =	shalt  }
0x7e: {  	_ =	shalt  }
0x7f: {  	_ =	shalt  }
0x80: {  	_ =	shalt  }
0x81: {  	_ =	shalt  }
0x82: {  	_ =	shalt  }
0x83: {  	_ =	shalt  }
0x84: {  	_ =	shalt  }
0x85: {  	_ =	shalt  }
0x86: {  	_ =	shalt  }
0x87: {  	_ =	shalt  }
.Lfunc_end0:
.L_simem_size_0:
called_computation.1_lowered:
.L_overlay_start_0:
0x88: {  	s2 =	sld [smem:$0x3FD9]  }
0x89: {  	s3 =	sld [smem:$0x3FFE];
	_ =	sdelay $0x1  }
0x8a: {  	s1 =	srdreg.scid  }
0x8b: {  	s0 =	sand.u32 $0x1, s1  }
0x8c: {  	s17 =	sshll.u32 s0, $0xA;
	s2 =	sadd.s32 s3, s2  }
0x8d: {  	s2 =	sadd.s32 s2, s17  }
0x8e: {  	[smem:$0x3FC7] =	sst s2  }
0x8f: {  	_ = 	snop  }
0x90: {  	s2 =	sld [smem:$0x3FD0];
	(tm) =	ssettm $0x1  }
0x91: {  	s18 =	sld [smem:$0x3FFB];
	_ =	sdelay $0x3  }
0x92: {  	_ =	strace s18  }
0x93: {  	s3 =	sld [smem:$0x3FFC];
	_ =	sdelay $0x3  }
0x94: {  	_ =	strace s3  }
0x95: {  	s3 =	sld [smem:$0x3FFD];
	_ =	sdelay $0x3  }
0x96: {  	_ =	strace s3  }
0x97: {  	_ =	strace $0x8FFFFFFF  }
0x98: {  	s19 =	sld [smem:$0x3FDB];
	_ =	sdelay $0x1  }
0x99: {  	s4 =	simm.s32 $_scs_section_size  }
0x9a: {  	s5 =	simm.s32 $_size__tile_overlayer_lowered;
	s6 =	simm.s32 $_tile_overlayer_lowered  }
0x9b: {  	s22 =	simm.s32 $0x1BFF;
	s21 =	sshll.u32 s6, $0x1;
	s3 =	sadd.s32 s4, s19  }
0x9c: {  	s7 =	simm.s32 $0x0;
	s20 =	sshll.u32 s5, $0x1;
	s5 =	sadd.s32 s21, s3  }
0x9d: {  	[timem:s7], [sflag:s22] =	dma.local [hbm:s5], s20  }
0x9e: {  	_ =	swait.ge [sflag:s22], s20  }
0x9f: {  	s4 =	ssub.s32 $0x0, s20;
	[sflag:s22] =	ssyncset.done $0x0  }
0xa0: {  	[sflag:s22] =	ssyncadd.s32 s4;
	_ =	sdelay $0x1  }
0xa1: {  	s23 =	simm.s32 $0x1B8B  }
0xa2: {  	_ =	swait.ge [sflag:s23], $0x1  }
0xa3: {  	[sflag:s23] =	ssyncset.done $0x0  }
0xa4: {  	s25 =	simm.s32 $0x1B8E;
	s24 =	sld [smem:$0x3FFE];
	[sflag:s23] =	ssyncadd.s32 $0xFFFFFFFF  }
0xa5: {  	s26 =	simm.s32 $execute0_lowered;
	[smem:$0x3FD2] =	sst s25  }
0xa6: {  	s5 =	sshll.u32 s26, $0x1;
	_ =	strace $0x80000046;
	[dreg:$0x1] =	wrdreg $0xFFFFFFFF  }
0xa7: {  	s28 =	simm.s32 $_size_execute0_lowered;
	s3 =	sadd.s32 s3, s5;
	[dreg:$0x0] =	wrdreg $0x0  }
0xa8: {  	s5 =	sshll.u32 s28, $0x1;
	[dreg:$0x2] =	wrdreg s3  }
0xa9: {  	[dreg:$0x3] =	wrdreg s5  }
0xaa: {  	[dreg:$0x4] =	wrdreg $0xC0  }
0xab: {  	_ =	task [dreg:s7], $0x5FFFF  }
0xac: {  	[dreg:$0x1] =	wrdreg $0xFFFFFFFF  }
0xad: {  	[dreg:$0x0] =	wrdreg $0x60  }
0xae: {  	[dreg:$0x2] =	wrdreg s2  }
0xaf: {  	[dreg:$0x3] =	wrdreg s24  }
0xb0: {  	[dreg:$0x4] =	wrdreg $0x9  }
0xb1: {  	_ =	task.clear_ibuf [dreg:s7], $0x5FFFF;
	_ =	strace $0x90000046  }
0xb2: {  	s29 =	simm.s32 $0x9;
	_ =	strace $0x80000048  }
0xb3: {  	_ =	swait.ge [sflag:s29], $0x1  }
0xb4: {  	[sflag:s29] =	ssyncadd.s32 $0xFFFFFFFF  }
0xb5: {  	_ =	strace $0x90000048  }
0xb6: {  	_ =	sfence  }
0xb7: {  	s30 =	sld [smem:$0x0];
	_ =	sdelay $0x2  }
0xb8: {  	s31 =	sshll.u32 s1, $0xD;
	s1 =	sshrl.u32 s1, $0x2  }
0xb9: {  	s3 =	sand.u32 $0x4000, s31;
	s1 =	sadd.s32 s1, s30  }
0xba: {  	s0 =	sor.u32 s3, s0;
	s1 =	sshll.u32 s1, $0x11  }
0xbb: {  	s0 =	sor.u32 s1, s0  }
0xbc: {  	s0 =	sadd.s32 $0x8F2B, s0  }
0xbd: {  	[sflag:s0] =	ssyncadd.remote.s32 $0x1  }
0xbe: {  	_ =	sfence.sel $0xFFFF  }
0xbf: {  	[dreg:$0x0] =	wrdreg $0xFFFFFFFF;
	(pc) =	sbr.abs _section_cstart, $3  }
0xc0: {  	[dreg:$0x1] =	wrdreg $0xFFFFFFFF  }
0xc1: {  	_ =	task.clear_ibuf [dreg:s7], $0x2FFFF;
	_ =	strace $0x9FFFFFFF  }
0xc2: {  	(tm) =	ssettm $0x7FFFFFFF  }
0xc3: {  	_ =	shalt  }
tec
execute0_lowered:
.L_overlay_start_1:
0x0: {  	(tag) =	ssettag $0x1  }
0x1: {  	s3 =	rddreg [dreg:$0x0]  }
0x2: {  	s4 =	rddreg [dreg:$0x1]  }
0x3: {  	s0 =	rddreg [dreg:$0x2]  }
0x4: {  	s2 =	simm.s32 $0x0;
	s1 =	stileid.u32;
	s5 =	srdreg.scid  }
0x5: {  	s15 =	simm.s32 $0x7F80;
	s16 =	simm.s32 $0x7F00;
	s17 =	simm.s32 $0x7E80  }
0x6: {  	s18 =	simm.s32 $0x7E00;
	s19 =	simm.s32 $0x7D80;
	s20 =	simm.s32 $0x7D00  }
0x7: {  	s21 =	simm.s32 $0x7C80;
	s22 =	simm.s32 $0x7C00;
	s23 =	simm.s32 $0x1  }
0x8: {  	s24 =	simm.s32 $0x0;
	[smem:$0x7FF] =	sst s2;
	s6 =	sshll.u32 s1, $0x1  }
0x9: {  	s7 =	sshll.u32 s1, $0x7;
	s11 =	sand.u32 $0x1, s5;
	s10 =	sadd.s32 $0x800, s4  }
0xa: {  	s31 =	sshll.u32 s1, $0x16;
	s13 =	sand.u32 $0x1, s1;
	s28 =	sand.u32 $0x2, s6  }
0xb: {  	s29 =	sand.u32 $0x700, s7;
	_ =	strace $0x80000047;
	s8 =	ssub.s32 $0x2, s11  }
0xc: {  	s12 =	sand.u32 $0x3800000, s31;
	s13 =	sshll.u32 s13, $0xE;
	s14 =	sshll.u32 s11, $0xD  }
0xd: {  	s5 =	sor.u32 s11, s28;
	s7 =	sshll.u32 s29, $0x7;
	s30 =	sshrl.u32 s8, $0x1  }
0xe: {  	s6 =	sshll.u32 s29, $0xF;
	s12 =	sadd.s32 s12, s10;
	s9 =	sshll.u32 s5, $0x10  }
0xf: {  	s7 =	sxor.u32 $0x3FF80, s7;
	s4 =	ssub.s32 s8, s30;
	s5 =	sshll.u32 s5, $0xD  }
0x10: {  	s13 =	sadd.s32 s13, s12;
	s7 =	sadd.s32 s7, s9;
	s5 =	sadd.s32 s10, s5  }
0x11: {  	s4 =	smax.u32 s4, $0x1;
	s13 =	sadd.s32 s14, s13;
	s14 =	simm.s32 $0x2  }
0x12: {  	s7 =	sadd.s32 $0xFFFF8080, s7;
	s5 =	sadd.s32 s6, s5;
	s13 =	sadd.s32 $0x40000, s13  }
0x13: {  	s7 =	sshrl.u32 s7, $0x3;
	s6 =	sadd.s32 $0x8000, s5;
	s8 =	sadd.s32 $0x18000, s5  }
0x14: {  	s9 =	sadd.s32 $0x20000, s5;
	s10 =	sadd.s32 $0x28000, s5;
	s11 =	sadd.s32 $0x30000, s5  }
0x15: {  	s12 =	sadd.s32 $0x38000, s5;
	s3 =	sadd.s32 s3, s7;
	s7 =	sadd.s32 $0x10000, s5  }
.LBB2_1:
0x16: {  	[tilespmem:s2], [sflag:$0x2] =	stream.linear.gather [hbm4b:s3+s2], $0x18000, $0x38;
	[tilespmem:$0x18000] =	vst v63  }
0x17: {  	_ =	swait.ge [sflag:s14], $0x18000  }
0x18: {  	[sflag:s14] =	ssyncset.done $0x0  }
0x19: {  	[sflag:s14] =	ssyncadd.s32 $0xFFFE8000  }
0x1a: {  	[hbm4b:s5+s2] =	stream.linear.scatter [tilespmem:s15], [sflag:$0x1], $0x10000, $0x38;
	[tilespmem:$0x18000] =	vst v63  }
0x1b: {  	_ = 	snop  }
0x1c: {  	[hbm4b:s6+s2] =	stream.linear.scatter [tilespmem:s16], [sflag:$0x1], $0x10000, $0x38;
	[tilespmem:$0x18000] =	vst v63  }
0x1d: {  	_ = 	snop  }
0x1e: {  	[hbm4b:s7+s2] =	stream.linear.scatter [tilespmem:s17], [sflag:$0x1], $0x10000, $0x38;
	[tilespmem:$0x18000] =	vst v63  }
0x1f: {  	_ = 	snop  }
0x20: {  	[hbm4b:s8+s2] =	stream.linear.scatter [tilespmem:s18], [sflag:$0x1], $0x10000, $0x38;
	[tilespmem:$0x18000] =	vst v63  }
0x21: {  	_ = 	snop  }
0x22: {  	[hbm4b:s9+s2] =	stream.linear.scatter [tilespmem:s19], [sflag:$0x1], $0x10000, $0x38;
	[tilespmem:$0x18000] =	vst v63  }
0x23: {  	_ = 	snop  }
0x24: {  	[hbm4b:s10+s2] =	stream.linear.scatter [tilespmem:s20], [sflag:$0x1], $0x10000, $0x38;
	[tilespmem:$0x18000] =	vst v63  }
0x25: {  	_ = 	snop  }
0x26: {  	[hbm4b:s11+s2] =	stream.linear.scatter [tilespmem:s21], [sflag:$0x1], $0x10000, $0x38;
	[tilespmem:$0x18000] =	vst v63  }
0x27: {  	_ = 	snop  }
0x28: {  	[hbm4b:s12+s2] =	stream.linear.scatter [tilespmem:s22], [sflag:$0x1], $0x10000, $0x38;
	[tilespmem:$0x18000] =	vst v63  }
0x29: {  	_ =	swait.ge [sflag:s23], $0x10000  }
0x2a: {  	[sflag:s23] =	ssyncset.done $0x0  }
0x2b: {  	s25 =	simm.s32 $0x7B80;
	[sflag:s23] =	ssyncadd.s32 $0xFFFF0000  }
0x2c: {  	[hbm4b:s13+s2] =	stream.linear.scatter [tilespmem:s25], [sflag:$0x1], $0x10000, $0x38;
	[tilespmem:$0x18000] =	vst v63  }
0x2d: {  	s26 =	smov.u32 s13;
	s25 =	simm.s32 $0x1EC00  }
.LBB2_2:
0x2e: {  	_ =	swait.ge [sflag:s23], $0x10000;
	p0 =	sne.s32 s25, $0x0  }
.Ltmp0:
0x2f: {  	(pc) =	sbr.rel @p0 .LBB2_2-.Ltmp0, $4  }
0x30: {  	_ = 	snop  }
0x31: {  	s28 =	sshra.s32 s25, $0x2;
	s26 =	sadd.s32 $0x8000, s26;
	[sflag:s23] =	ssyncset.done $0x0  }
0x32: {  	s25 =	sadd.s32 $0xFFFFFE00, s25;
	[sflag:s23] =	ssyncadd.s32 $0xFFFF0000  }
0x33: {  	[hbm4b:s26+s2] =	stream.linear.scatter [tilespmem:s28], [sflag:$0x1], $0x10000, $0x38;
	[tilespmem:$0x18000] =	vst v63  }
0x34: {  	_ =	swait.ge [sflag:s23], $0x10000  }
0x35: {  	[sflag:s23] =	ssyncset.done $0x0  }
0x36: {  	[sflag:s23] =	ssyncadd.s32 $0xFFFF0000  }
0x37: {  	_ =	swait.ge [sflag:s23], $0x10000  }
0x38: {  	[sflag:s23] =	ssyncset.done $0x0  }
0x39: {  	[sflag:s23] =	ssyncadd.s32 $0xFFFF0000  }
0x3a: {  	_ =	swait.ge [sflag:s23], $0x10000  }
0x3b: {  	[sflag:s23] =	ssyncset.done $0x0  }
0x3c: {  	[sflag:s23] =	ssyncadd.s32 $0xFFFF0000  }
0x3d: {  	_ =	swait.ge [sflag:s23], $0x10000  }
0x3e: {  	[sflag:s23] =	ssyncset.done $0x0  }
0x3f: {  	[sflag:s23] =	ssyncadd.s32 $0xFFFF0000  }
0x40: {  	_ =	swait.ge [sflag:s23], $0x10000  }
0x41: {  	[sflag:s23] =	ssyncset.done $0x0  }
0x42: {  	[sflag:s23] =	ssyncadd.s32 $0xFFFF0000  }
0x43: {  	_ =	swait.ge [sflag:s23], $0x10000  }
0x44: {  	[sflag:s23] =	ssyncset.done $0x0  }
0x45: {  	s24 =	sadd.s32 $0x1, s24;
	[sflag:s23] =	ssyncadd.s32 $0xFFFF0000  }
0x46: {  	p0 =	sne.s32 s24, s4;
	_ =	swait.ge [sflag:s23], $0x10000  }
.Ltmp1:
0x47: {  	[sflag:s23] =	ssyncset.done $0x0;
	(pc) =	sbr.rel @p0 .LBB2_1-.Ltmp1, $4  }
0x48: {  	[sflag:s23] =	ssyncadd.s32 $0xFFFF0000  }
0x49: {  	_ =	swait.ge [sflag:s23], $0x10000  }
0x4a: {  	[sflag:s23] =	ssyncset.done $0x0  }
0x4b: {  	[sflag:s23] =	ssyncadd.s32 $0xFFFF0000  }
0x4c: {  	_ =	sfence.sel $0x180000  }
0x4d: {  	[bflag:$0x0] =	sbarrier.arrive $0xFFFF  }
0x4e: {  	p0 =	sne.s32 s1, $0x0;
	_ =	strace $0x90000047  }
0x4f: {  	s0 =	sadd.s32 @!p0 $0x100000, s0;
	[bflag:$0x2] =	sbarrier.arrive $0xFFFF  }
0x50: {  	[sflag:s0] =	ssyncadd.tile.s32 @!p0 $0x1;
	_ =	shalt  }
.Lfunc_end2:
_tile_overlayer_lowered:
.L_overlay_start_2:
0x51: {  	(tag) =	ssettag $0x2  }
0x52: {  	s0 =	rddreg [dreg:$0x0];
	s2 =	stileid.u32  }
0x53: {  	s1 =	rddreg [dreg:$0x1];
	p0 =	sne.s32 s2, $0x0  }
0x54: {  	s3 =	rddreg [dreg:$0x2];
	[bflag:$0x3] =	sbarrier.arrive $0xFFFF;
	s2 =	simm.s32 @!p0 $0x1C02  }
0x55: {  	[timem:s3], [sflag:s2] =	dma.local @!p0 [hbm:s0], s1  }
0x56: {  	s0 =	simm.s32 @!p0 $0x2  }
0x57: {  	_ =	swait.ge @!p0 [sflag:s0], s1  }
0x58: {  	s1 =	ssub.s32 @!p0 $0x0, s1;
	[sflag:s0] =	ssyncset.done @!p0 $0x0  }
0x59: {  	[sflag:s0] =	ssyncadd.s32 @!p0 s1  }
0x5a: {  	[bflag:$0x3] =	sbarrier.arrive $0xFFFF  }
0x5b: {  	_ =	shalt  }

</sc_bundles>
